<compile_context>
chip_gen: v7x
topology: tpu7x:2x2x1
jax: 0.10.2.dev20260603
libtpu: 0.0.44.dev20260713+nightly
codegen_flags: <defaults>
</compile_context>

<pallas_src>
import functools

import jax
import jax.numpy as jnp
from jax import lax
from jax.experimental import pallas as pl
from jax.experimental.pallas import tpu as pltpu
from jax.experimental.pallas import tpu_sc as plsc

_B = 4
_NUM_VN = 10000
_NUM_CN = 5000
_DEG = 8
_E = _NUM_CN * _DEG
_D = 128
_MSG = 128
_H = 512

_NC = 2
_NS = 16
_NW = _NC * _NS
_CHUNK = 128

_CN_B = 1000
_EB = _CN_B * _DEG


def _sc_gather(table, idx):
    n = idx.shape[0]
    per_w = n // _NW
    nch = per_w // _CHUNK
    mesh = plsc.VectorSubcoreMesh(
        core_axis_name="c", subcore_axis_name="s",
        num_cores=_NC, num_subcores=_NS)

    @functools.partial(
        pl.kernel, mesh=mesh,
        out_type=jax.ShapeDtypeStruct((n, _D), jnp.float32),
        scratch_types=[
            pltpu.VMEM((_CHUNK,), jnp.int32),
            pltpu.VMEM((_CHUNK, _D), jnp.float32),
            pltpu.SemaphoreType.DMA,
        ],
    )
    def gather_kernel(table_hbm, idx_hbm, out_hbm, idx_v, rows_v, sem):
        wid = lax.axis_index("s") * _NC + lax.axis_index("c")
        base = pl.multiple_of(wid * per_w, 8)

        def body(i, carry):
            s = pl.multiple_of(base + i * _CHUNK, 8)
            pltpu.sync_copy(idx_hbm.at[pl.ds(s, _CHUNK)], idx_v)
            pltpu.async_copy(table_hbm.at[idx_v], rows_v, sem).wait()
            pltpu.sync_copy(rows_v, out_hbm.at[pl.ds(s, _CHUNK)])
            return carry

        lax.fori_loop(0, nch, body, 0)

    return gather_kernel(table, idx)


def _tc_body(g_ref, hta_ref, wma_ref, wmb_ref, w2_ref, w3_ref,
             wem_ref, wea_ref, we2_ref, we3_ref, out_ref):
    f32 = jnp.float32
    bf16 = jnp.bfloat16
    g = g_ref[...].astype(bf16)
    hta = hta_ref[0]

    t = jnp.dot(hta, wmb_ref[...], preferred_element_type=f32)
    l1 = jnp.dot(g, wma_ref[...], preferred_element_type=f32)
    l1 = l1.reshape(_CN_B, _DEG, _H) + t[:, None, :]
    l1 = jnp.maximum(l1, 0.0).reshape(_EB, _H).astype(bf16)
    l2 = jnp.maximum(jnp.dot(l1, w2_ref[...], preferred_element_type=f32), 0.0)
    s = l2.reshape(_CN_B, _DEG, _H).sum(axis=1).astype(bf16)
    m = jnp.dot(s, w3_ref[...], preferred_element_type=f32).astype(bf16)

    u = (jnp.dot(m, wem_ref[...], preferred_element_type=f32)
         + jnp.dot(hta, wea_ref[...], preferred_element_type=f32))
    u = jnp.maximum(u, 0.0).astype(bf16)
    u = jnp.maximum(jnp.dot(u, we2_ref[...], preferred_element_type=f32),
                    0.0).astype(bf16)
    out_ref[0] = jnp.dot(u, we3_ref[...], preferred_element_type=f32)


def _tc_branch(g, hta, wma, wmb, w2, w3, wem, wea, we2, we3):
    nj = _NUM_CN // _CN_B
    grid = (_B, nj)
    full = lambda b, j: (0, 0)
    return pl.pallas_call(
        _tc_body,
        grid=grid,
        in_specs=[
            pl.BlockSpec((_EB, _D), lambda b, j: (b * (_E // _EB) + j, 0)),
            pl.BlockSpec((1, _CN_B, 2 * _D), lambda b, j: (b, j, 0)),
            pl.BlockSpec((_D, _H), full),
            pl.BlockSpec((2 * _D, _H), full),
            pl.BlockSpec((_H, _H), full),
            pl.BlockSpec((_H, _MSG), full),
            pl.BlockSpec((_MSG, _H), full),
            pl.BlockSpec((2 * _D, _H), full),
            pl.BlockSpec((_H, _H), full),
            pl.BlockSpec((_H, _D), full),
        ],
        out_specs=pl.BlockSpec((1, _CN_B, _D), lambda b, j: (b, j, 0)),
        out_shape=jax.ShapeDtypeStruct((_B, _NUM_CN, _D), jnp.float32),
    )(g, hta, wma, wmb, w2, w3, wem, wea, we2, we3)


def _aug_h(h_to, logit):
    bf16 = jnp.bfloat16
    return jnp.concatenate([
        h_to.astype(bf16),
        logit[..., None].astype(bf16),
        jnp.zeros((_B, _NUM_CN, _D - 1), bf16),
    ], axis=-1)


def _msg_aug(w1):
    return jnp.concatenate([w1[_D:], jnp.zeros((_D, _H), jnp.float32)])


def _upd_aug(we1):
    return jnp.concatenate([we1[_MSG:_MSG + _D], we1[_MSG + _D:_MSG + _D + 1],
                            jnp.zeros((_D - 1, _H), jnp.float32)])


def kernel(h_from, h_to_x, h_to_z, hx_logit, hz_logit, from_ind_x, from_ind_z,
           to_ind_x, to_ind_z, Wmx1, Wmx2, Wmx3, Wmz1, Wmz2, Wmz3,
           Wex1, Wex2, Wex3, Wez1, Wez2, Wez3):
    del to_ind_x, to_ind_z
    bf16 = jnp.bfloat16

    table = h_from.reshape(_B * _NUM_VN, _D)
    offs = (jnp.arange(_B, dtype=jnp.int32) * _NUM_VN)[:, None]
    n_pad = -(_B * _E) % (_NW * _CHUNK)

    def branch_gather(from_ind):
        idx = (from_ind[None, :] + offs).reshape(-1)
        idx = jnp.concatenate([idx, jnp.arange(n_pad, dtype=jnp.int32)])
        return _sc_gather(table, idx)

    g_x = branch_gather(from_ind_x)
    g_z = branch_gather(from_ind_z)

    hta_x = _aug_h(h_to_x, hx_logit)
    hta_z = _aug_h(h_to_z, hz_logit)

    out_x = _tc_branch(
        g_x, hta_x,
        Wmx1[:_D].astype(bf16), _msg_aug(Wmx1).astype(bf16),
        Wmx2.astype(bf16), Wmx3.astype(bf16),
        Wex1[:_MSG].astype(bf16), _upd_aug(Wex1).astype(bf16),
        Wex2.astype(bf16), Wex3.astype(bf16))
    out_z = _tc_branch(
        g_z, hta_z,
        Wmz1[:_D].astype(bf16), _msg_aug(Wmz1).astype(bf16),
        Wmz2.astype(bf16), Wmz3.astype(bf16),
        Wez1[:_MSG].astype(bf16), _upd_aug(Wez1).astype(bf16),
        Wez2.astype(bf16), Wez3.astype(bf16))
    return out_x, out_z

# --- scband reference (transcript-rebuilt; emitter-appended) ---
"""Pipeline reference for scband-update-cnembeddings-41326175322290 (READ-ONLY COPY).

The authoritative reference and input builder live on the scoring server;
editing this copy changes nothing except your own understanding.
"""

import jax, jax.numpy as jnp
import numpy as np

B = 4
NUM_VN = 10000
NUM_CN = 5000
DEG = 8
E = NUM_CN * DEG
D = 128
MSG = 128
H = 512


def _glorot(key, shape):
    fan_in, fan_out = shape
    s = jnp.sqrt(2.0 / (fan_in + fan_out))
    return jax.random.normal(key, shape, dtype=jnp.float32) * s


def setup_inputs(seed: int = 0) -> dict:
    key = jax.random.key(seed)
    ks = jax.random.split(key, 20)
    rng = np.random.default_rng(0)
    inp = {}
    inp["h_from"] = jax.random.normal(ks[0], (B, NUM_VN, D), dtype=jnp.float32)
    inp["h_to_x"] = jax.random.normal(ks[1], (B, NUM_CN, D), dtype=jnp.float32)
    inp["h_to_z"] = jax.random.normal(ks[2], (B, NUM_CN, D), dtype=jnp.float32)
    inp["hx_logit"] = jax.random.normal(ks[3], (B, NUM_CN), dtype=jnp.float32)
    inp["hz_logit"] = jax.random.normal(ks[4], (B, NUM_CN), dtype=jnp.float32)
    # structural constants: degree-8 regular bipartite Tanner graph, edges grouped by check node
    inp["from_ind_x"] = jnp.asarray(rng.integers(0, NUM_VN, size=(E,)), dtype=jnp.int32)
    inp["from_ind_z"] = jnp.asarray(rng.integers(0, NUM_VN, size=(E,)), dtype=jnp.int32)
    inp["to_ind_x"] = jnp.repeat(jnp.arange(NUM_CN, dtype=jnp.int32), DEG)
    inp["to_ind_z"] = jnp.repeat(jnp.arange(NUM_CN, dtype=jnp.int32), DEG)
    # message MLPs (Dense without bias): in 2*D -> H -> H -> MSG
    inp["Wmx1"] = _glorot(ks[5], (2 * D, H))
    inp["Wmx2"] = _glorot(ks[6], (H, H))
    inp["Wmx3"] = _glorot(ks[7], (H, MSG))
    inp["Wmz1"] = _glorot(ks[8], (2 * D, H))
    inp["Wmz2"] = _glorot(ks[9], (H, H))
    inp["Wmz3"] = _glorot(ks[10], (H, MSG))
    # embedding-update MLPs: in MSG + D + 1 (logit) -> H -> H -> D
    inp["Wex1"] = _glorot(ks[11], (MSG + D + 1, H))
    inp["Wex2"] = _glorot(ks[12], (H, H))
    inp["Wex3"] = _glorot(ks[13], (H, D))
    inp["Wez1"] = _glorot(ks[14], (MSG + D + 1, H))
    inp["Wez2"] = _glorot(ks[15], (H, H))
    inp["Wez3"] = _glorot(ks[16], (H, D))
    return inp


def _mlp(x, ws):
    # Dense stack: relu on hidden layers, linear output, no bias (use_bias=False)
    for w in ws[:-1]:
        x = jax.nn.relu(x @ w)
    return x @ ws[-1]


def _branch(h_from, h_to, logit, from_ind, to_ind, wm, we):
    # gather transmitting / receiving embeddings along the node axis and concat
    feat = jnp.concatenate([h_from[:, from_ind, :], h_to[:, to_ind, :]], axis=-1)
    msgs = _mlp(feat, wm)  # [B, E, MSG]
    # reduce_op='sum': ragged gather + reduce_sum == segment_sum over destination check node
    m = jax.ops.segment_sum(jnp.transpose(msgs, (1, 0, 2)), to_ind, num_segments=NUM_CN)
    m = jnp.transpose(m, (1, 0, 2))  # [B, NUM_CN, MSG]
    emb_in = jnp.concatenate([m, h_to, logit[..., None]], axis=-1)
    return _mlp(emb_in, we)


def reference(h_from, h_to_x, h_to_z, hx_logit, hz_logit, from_ind_x, from_ind_z, to_ind_x, to_ind_z, Wmx1, Wmx2, Wmx3, Wmz1, Wmz2, Wmz3, Wex1, Wex2, Wex3, Wez1, Wez2, Wez3):
    h_to_x_new = _branch(h_from, h_to_x, hx_logit, from_ind_x, to_ind_x, [Wmx1, Wmx2, Wmx3], [Wex1, Wex2, Wex3])
    h_to_z_new = _branch(h_from, h_to_z, hz_logit, from_ind_z, to_ind_z, [Wmz1, Wmz2, Wmz3], [Wez1, Wez2, Wez3])
    return h_to_x_new, h_to_z_new

if __name__ == "__main__":
    import jax
    _d = setup_inputs()
    print(jax.jit(kernel)(*tuple(_d.values())))

</pallas_src>

<mosaic_0001>
#map = affine_map<(d0, d1) -> (0, 0)>
#map1 = affine_map<(d0, d1) -> (0)>
module attributes {stable_mosaic.version = 14 : i64} {
  func.func @gather_kernel(%arg0: i32, %arg1: i32, %arg2: memref<40000x128xf32, #tpu.memory_space<hbm>>, %arg3: memref<163840xi32, #tpu.memory_space<hbm>>, %arg4: memref<163840x128xf32, #tpu.memory_space<hbm>>, %arg5: memref<128xi32, #tpu.memory_space<vmem>>, %arg6: memref<128x128xf32, #tpu.memory_space<vmem>>, %arg7: memref<!tpu.dma_semaphore, #tpu.memory_space<semaphore_mem>>) attributes {dimension_semantics = [#tpu.dimension_semantics<core_parallel>, #tpu.dimension_semantics<subcore_parallel>], iteration_bounds = array<i64: 2, 16>, scalar_prefetch = 0 : i64, scratch_operands = 3 : i64, tpu.core_type = #tpu.core_type<sc_vector_subcore>, window_params = [{transform_indices = #map}, {transform_indices = #map1}, {transform_indices = #map}]} {
    %mul3A = arith.constant 2 : i32
    %mul3A_0 = arith.muli %arg1, %mul3A : i32
    %add3A = arith.addi %mul3A_0, %arg0 : i32
    %mul3A_1 = arith.constant 5120 : i32
    %mul3A_2 = arith.muli %add3A, %mul3A_1 : i32
    %multiple_of3A = tpu.assume_multiple %mul3A_2, 8 : i32
    %scan3A = arith.constant 0 : i32
    %scan3A_3 = arith.constant 0 : i32
    %scan3A_4 = arith.constant 40 : i32
    %scan3A_5 = arith.addi %scan3A_3, %scan3A_4 : i32
    %scan3A_6 = arith.constant 1 : i32
    scf.for %scan3A_8 = %scan3A_3 to %scan3A_5 step %scan3A_6  : i32 {
      %mul3A_9 = arith.constant 128 : i32
      %mul3A_10 = arith.muli %scan3A_8, %mul3A_9 : i32
      %add3A_11 = arith.addi %multiple_of3A, %mul3A_10 : i32
      %multiple_of3A_12 = tpu.assume_multiple %add3A_11, 8 : i32
      "tpu.region"() ({
        %run_scoped3A = tpu.sem_alloc : memref<!tpu.dma_semaphore, #tpu.memory_space<semaphore_mem>>
        %dma_start3A_17 = tpu.memref_slice %arg3[%multiple_of3A_12] : memref<163840xi32, #tpu.memory_space<hbm>> -> memref<128xi32, #tpu.memory_space<hbm>>
        %dma_start3A_18 = tpu.memref_slice %arg3[%multiple_of3A_12] : memref<163840xi32, #tpu.memory_space<hbm>> -> memref<128xi32, #tpu.memory_space<hbm>>
        tpu.enqueue_dma source(%dma_start3A_18 : memref<128xi32, #tpu.memory_space<hbm>>) target(%arg5 : memref<128xi32, #tpu.memory_space<vmem>>) target_semaphore(%run_scoped3A : memref<!tpu.dma_semaphore, #tpu.memory_space<semaphore_mem>>)
        %dma_wait3A_19 = tpu.memref_slice %arg3[%multiple_of3A_12] : memref<163840xi32, #tpu.memory_space<hbm>> -> memref<128xi32, #tpu.memory_space<hbm>>
        %dma_wait3A_20 = tpu.memref_slice %arg3[%multiple_of3A_12] : memref<163840xi32, #tpu.memory_space<hbm>> -> memref<128xi32, #tpu.memory_space<hbm>>
        tpu.wait_dma2 semaphore(%run_scoped3A : memref<!tpu.dma_semaphore, #tpu.memory_space<semaphore_mem>>) src(%dma_wait3A_20 : memref<128xi32, #tpu.memory_space<hbm>>) dst(%arg5 : memref<128xi32, #tpu.memory_space<vmem>>)
        tpu.yield
      }) : () -> ()
      %dma_start3A = arith.constant 0 : i32
      %dma_start3A_13 = arith.constant 0 : i32
      %dma_start3A_14 = tpu.memref_slice %arg2[%dma_start3A, %dma_start3A_13] : memref<40000x128xf32, #tpu.memory_space<hbm>> -> memref<40000x128xf32, #tpu.memory_space<hbm>>
      tpu.enqueue_indirect_dma source(%dma_start3A_14 : memref<40000x128xf32, #tpu.memory_space<hbm>>) target(%arg6 : memref<128x128xf32, #tpu.memory_space<vmem>>) offsets(%arg5 : memref<128xi32, #tpu.memory_space<vmem>>) semaphore(%arg7 : memref<!tpu.dma_semaphore, #tpu.memory_space<semaphore_mem>>)
      %dma_wait3A = arith.constant 0 : i32
      %dma_wait3A_15 = arith.constant 0 : i32
      %dma_wait3A_16 = tpu.memref_slice %arg2[%dma_wait3A, %dma_wait3A_15] : memref<40000x128xf32, #tpu.memory_space<hbm>> -> memref<40000x128xf32, #tpu.memory_space<hbm>>
      tpu.wait_indirect_dma semaphore(%arg7 : memref<!tpu.dma_semaphore, #tpu.memory_space<semaphore_mem>>) src(%dma_wait3A_16 : memref<40000x128xf32, #tpu.memory_space<hbm>>) dst(%arg6 : memref<128x128xf32, #tpu.memory_space<vmem>>)
      "tpu.region"() ({
        %run_scoped3A = tpu.sem_alloc : memref<!tpu.dma_semaphore, #tpu.memory_space<semaphore_mem>>
        %dma_start3A_17 = arith.constant 0 : i32
        %dma_start3A_18 = tpu.memref_slice %arg4[%multiple_of3A_12, %dma_start3A_17] : memref<163840x128xf32, #tpu.memory_space<hbm>> -> memref<128x128xf32, #tpu.memory_space<hbm>>
        %dma_start3A_19 = arith.constant 0 : i32
        %dma_start3A_20 = tpu.memref_slice %arg4[%multiple_of3A_12, %dma_start3A_19] : memref<163840x128xf32, #tpu.memory_space<hbm>> -> memref<128x128xf32, #tpu.memory_space<hbm>>
        tpu.enqueue_dma source(%arg6 : memref<128x128xf32, #tpu.memory_space<vmem>>) target(%dma_start3A_20 : memref<128x128xf32, #tpu.memory_space<hbm>>) target_semaphore(%run_scoped3A : memref<!tpu.dma_semaphore, #tpu.memory_space<semaphore_mem>>)
        %dma_wait3A_21 = arith.constant 0 : i32
        %dma_wait3A_22 = tpu.memref_slice %arg4[%multiple_of3A_12, %dma_wait3A_21] : memref<163840x128xf32, #tpu.memory_space<hbm>> -> memref<128x128xf32, #tpu.memory_space<hbm>>
        %dma_wait3A_23 = arith.constant 0 : i32
        %dma_wait3A_24 = tpu.memref_slice %arg4[%multiple_of3A_12, %dma_wait3A_23] : memref<163840x128xf32, #tpu.memory_space<hbm>> -> memref<128x128xf32, #tpu.memory_space<hbm>>
        tpu.wait_dma2 semaphore(%run_scoped3A : memref<!tpu.dma_semaphore, #tpu.memory_space<semaphore_mem>>) src(%arg6 : memref<128x128xf32, #tpu.memory_space<vmem>>) dst(%dma_wait3A_24 : memref<128x128xf32, #tpu.memory_space<hbm>>)
        tpu.yield
      }) : () -> ()
    }
    %scan3A_7 = arith.constant 40 : i32
    return
  }
}

#map = affine_map<(d0, d1) -> (0, 0)>
#map1 = affine_map<(d0, d1) -> (0)>
module attributes {stable_mosaic.version = 14 : i64} {
  func.func @gather_kernel(%arg0: i32, %arg1: i32, %arg2: memref<40000x128xf32, #tpu.memory_space<hbm>>, %arg3: memref<163840xi32, #tpu.memory_space<hbm>>, %arg4: memref<163840x128xf32, #tpu.memory_space<hbm>>, %arg5: memref<128xi32, #tpu.memory_space<vmem>>, %arg6: memref<128x128xf32, #tpu.memory_space<vmem>>, %arg7: memref<!tpu.dma_semaphore, #tpu.memory_space<semaphore_mem>>) attributes {dimension_semantics = [#tpu.dimension_semantics<core_parallel>, #tpu.dimension_semantics<subcore_parallel>], iteration_bounds = array<i64: 2, 16>, scalar_prefetch = 0 : i64, scratch_operands = 3 : i64, tpu.core_type = #tpu.core_type<sc_vector_subcore>, window_params = [{transform_indices = #map}, {transform_indices = #map1}, {transform_indices = #map}]} {
    %mul3A = arith.constant 2 : i32
    %mul3A_0 = arith.muli %arg1, %mul3A : i32
    %add3A = arith.addi %mul3A_0, %arg0 : i32
    %mul3A_1 = arith.constant 5120 : i32
    %mul3A_2 = arith.muli %add3A, %mul3A_1 : i32
    %multiple_of3A = tpu.assume_multiple %mul3A_2, 8 : i32
    %scan3A = arith.constant 0 : i32
    %scan3A_3 = arith.constant 0 : i32
    %scan3A_4 = arith.constant 40 : i32
    %scan3A_5 = arith.addi %scan3A_3, %scan3A_4 : i32
    %scan3A_6 = arith.constant 1 : i32
    scf.for %scan3A_8 = %scan3A_3 to %scan3A_5 step %scan3A_6  : i32 {
      %mul3A_9 = arith.constant 128 : i32
      %mul3A_10 = arith.muli %scan3A_8, %mul3A_9 : i32
      %add3A_11 = arith.addi %multiple_of3A, %mul3A_10 : i32
      %multiple_of3A_12 = tpu.assume_multiple %add3A_11, 8 : i32
      "tpu.region"() ({
        %run_scoped3A = tpu.sem_alloc : memref<!tpu.dma_semaphore, #tpu.memory_space<semaphore_mem>>
        %dma_start3A_17 = tpu.memref_slice %arg3[%multiple_of3A_12] : memref<163840xi32, #tpu.memory_space<hbm>> -> memref<128xi32, #tpu.memory_space<hbm>>
        %dma_start3A_18 = tpu.memref_slice %arg3[%multiple_of3A_12] : memref<163840xi32, #tpu.memory_space<hbm>> -> memref<128xi32, #tpu.memory_space<hbm>>
        tpu.enqueue_dma source(%dma_start3A_18 : memref<128xi32, #tpu.memory_space<hbm>>) target(%arg5 : memref<128xi32, #tpu.memory_space<vmem>>) target_semaphore(%run_scoped3A : memref<!tpu.dma_semaphore, #tpu.memory_space<semaphore_mem>>)
        %dma_wait3A_19 = tpu.memref_slice %arg3[%multiple_of3A_12] : memref<163840xi32, #tpu.memory_space<hbm>> -> memref<128xi32, #tpu.memory_space<hbm>>
        %dma_wait3A_20 = tpu.memref_slice %arg3[%multiple_of3A_12] : memref<163840xi32, #tpu.memory_space<hbm>> -> memref<128xi32, #tpu.memory_space<hbm>>
        tpu.wait_dma2 semaphore(%run_scoped3A : memref<!tpu.dma_semaphore, #tpu.memory_space<semaphore_mem>>) src(%dma_wait3A_20 : memref<128xi32, #tpu.memory_space<hbm>>) dst(%arg5 : memref<128xi32, #tpu.memory_space<vmem>>)
        tpu.yield
      }) : () -> ()
      %dma_start3A = arith.constant 0 : i32
      %dma_start3A_13 = arith.constant 0 : i32
      %dma_start3A_14 = tpu.memref_slice %arg2[%dma_start3A, %dma_start3A_13] : memref<40000x128xf32, #tpu.memory_space<hbm>> -> memref<40000x128xf32, #tpu.memory_space<hbm>>
      tpu.enqueue_indirect_dma source(%dma_start3A_14 : memref<40000x128xf32, #tpu.memory_space<hbm>>) target(%arg6 : memref<128x128xf32, #tpu.memory_space<vmem>>) offsets(%arg5 : memref<128xi32, #tpu.memory_space<vmem>>) semaphore(%arg7 : memref<!tpu.dma_semaphore, #tpu.memory_space<semaphore_mem>>)
      %dma_wait3A = arith.constant 0 : i32
      %dma_wait3A_15 = arith.constant 0 : i32
      %dma_wait3A_16 = tpu.memref_slice %arg2[%dma_wait3A, %dma_wait3A_15] : memref<40000x128xf32, #tpu.memory_space<hbm>> -> memref<40000x128xf32, #tpu.memory_space<hbm>>
      tpu.wait_indirect_dma semaphore(%arg7 : memref<!tpu.dma_semaphore, #tpu.memory_space<semaphore_mem>>) src(%dma_wait3A_16 : memref<40000x128xf32, #tpu.memory_space<hbm>>) dst(%arg6 : memref<128x128xf32, #tpu.memory_space<vmem>>)
      "tpu.region"() ({
        %run_scoped3A = tpu.sem_alloc : memref<!tpu.dma_semaphore, #tpu.memory_space<semaphore_mem>>
        %dma_start3A_17 = arith.constant 0 : i32
        %dma_start3A_18 = tpu.memref_slice %arg4[%multiple_of3A_12, %dma_start3A_17] : memref<163840x128xf32, #tpu.memory_space<hbm>> -> memref<128x128xf32, #tpu.memory_space<hbm>>
        %dma_start3A_19 = arith.constant 0 : i32
        %dma_start3A_20 = tpu.memref_slice %arg4[%multiple_of3A_12, %dma_start3A_19] : memref<163840x128xf32, #tpu.memory_space<hbm>> -> memref<128x128xf32, #tpu.memory_space<hbm>>
        tpu.enqueue_dma source(%arg6 : memref<128x128xf32, #tpu.memory_space<vmem>>) target(%dma_start3A_20 : memref<128x128xf32, #tpu.memory_space<hbm>>) target_semaphore(%run_scoped3A : memref<!tpu.dma_semaphore, #tpu.memory_space<semaphore_mem>>)
        %dma_wait3A_21 = arith.constant 0 : i32
        %dma_wait3A_22 = tpu.memref_slice %arg4[%multiple_of3A_12, %dma_wait3A_21] : memref<163840x128xf32, #tpu.memory_space<hbm>> -> memref<128x128xf32, #tpu.memory_space<hbm>>
        %dma_wait3A_23 = arith.constant 0 : i32
        %dma_wait3A_24 = tpu.memref_slice %arg4[%multiple_of3A_12, %dma_wait3A_23] : memref<163840x128xf32, #tpu.memory_space<hbm>> -> memref<128x128xf32, #tpu.memory_space<hbm>>
        tpu.wait_dma2 semaphore(%run_scoped3A : memref<!tpu.dma_semaphore, #tpu.memory_space<semaphore_mem>>) src(%arg6 : memref<128x128xf32, #tpu.memory_space<vmem>>) dst(%dma_wait3A_24 : memref<128x128xf32, #tpu.memory_space<hbm>>)
        tpu.yield
      }) : () -> ()
    }
    %scan3A_7 = arith.constant 40 : i32
    return
  }
}

module attributes {stable_mosaic.version = 14 : i64} {
  func.func @_tc_body(%arg0: i32, %arg1: i32, %arg2: memref<8000x128xf32, #tpu.memory_space<vmem>>, %arg3: memref<1x1000x256xbf16, #tpu.memory_space<vmem>>, %arg4: memref<128x512xbf16, #tpu.memory_space<vmem>>, %arg5: memref<256x512xbf16, #tpu.memory_space<vmem>>, %arg6: memref<512x512xbf16, #tpu.memory_space<vmem>>, %arg7: memref<512x128xbf16, #tpu.memory_space<vmem>>, %arg8: memref<128x512xbf16, #tpu.memory_space<vmem>>, %arg9: memref<256x512xbf16, #tpu.memory_space<vmem>>, %arg10: memref<512x512xbf16, #tpu.memory_space<vmem>>, %arg11: memref<512x128xbf16, #tpu.memory_space<vmem>>, %arg12: memref<1x1000x128xf32, #tpu.memory_space<vmem>>) attributes {dimension_semantics = [#tpu.dimension_semantics<arbitrary>, #tpu.dimension_semantics<arbitrary>], iteration_bounds = array<i64: 4, 5>, scalar_prefetch = 0 : i64, scratch_operands = 0 : i64, tpu.core_type = #tpu.core_type<tc>, window_params = [{transform_indices = @transform_0, window_bounds = array<i64: 8000, 128>}, {transform_indices = @transform_1, window_bounds = array<i64: 1, 1000, 256>}, {pipeline_mode = #tpu.pipeline_mode<synchronous>, transform_indices = @transform_2, window_bounds = array<i64: 128, 512>}, {pipeline_mode = #tpu.pipeline_mode<synchronous>, transform_indices = @transform_3, window_bounds = array<i64: 256, 512>}, {pipeline_mode = #tpu.pipeline_mode<synchronous>, transform_indices = @transform_4, window_bounds = array<i64: 512, 512>}, {pipeline_mode = #tpu.pipeline_mode<synchronous>, transform_indices = @transform_5, window_bounds = array<i64: 512, 128>}, {pipeline_mode = #tpu.pipeline_mode<synchronous>, transform_indices = @transform_6, window_bounds = array<i64: 128, 512>}, {pipeline_mode = #tpu.pipeline_mode<synchronous>, transform_indices = @transform_7, window_bounds = array<i64: 256, 512>}, {pipeline_mode = #tpu.pipeline_mode<synchronous>, transform_indices = @transform_8, window_bounds = array<i64: 512, 512>}, {pipeline_mode = #tpu.pipeline_mode<synchronous>, transform_indices = @transform_9, window_bounds = array<i64: 512, 128>}, {transform_indices = @transform_10, window_bounds = array<i64: 1, 1000, 128>}]} {
    %get3A = arith.constant 0 : index
    %get3A_0 = arith.constant 0 : index
    %get3A_1 = vector.load %arg2[%get3A, %get3A_0] : memref<8000x128xf32, #tpu.memory_space<vmem>>, vector<8000x128xf32>
    %convert_element_type3A = arith.truncf %get3A_1 : vector<8000x128xf32> to vector<8000x128xbf16>
    %get3A_2 = arith.constant 0 : index
    %get3A_3 = arith.constant 0 : index
    %get3A_4 = arith.constant 0 : index
    %get3A_5 = vector.load %arg3[%get3A_2, %get3A_3, %get3A_4] : memref<1x1000x256xbf16, #tpu.memory_space<vmem>>, vector<1x1000x256xbf16>
    %get3A_6 = vector.shape_cast %get3A_5 : vector<1x1000x256xbf16> to vector<1000x256xbf16>
    %get3A_7 = arith.constant 0 : index
    %get3A_8 = arith.constant 0 : index
    %get3A_9 = vector.load %arg5[%get3A_7, %get3A_8] : memref<256x512xbf16, #tpu.memory_space<vmem>>, vector<256x512xbf16>
    %dot_general3A = arith.constant dense<0.000000e+00> : vector<1000x512xf32>
    %dot_general3A_10 = tpu.matmul %get3A_6, %get3A_9, %dot_general3A {dimension_numbers = #tpu.dot_dimension_numbers<[1], [0], [0], [1], [0, 0, 1, 1], [], []>, transpose_lhs_hint = false} : vector<1000x256xbf16>, vector<256x512xbf16>, vector<1000x512xf32> -> vector<1000x512xf32>
    %get3A_11 = arith.constant 0 : index
    %get3A_12 = arith.constant 0 : index
    %get3A_13 = vector.load %arg4[%get3A_11, %get3A_12] : memref<128x512xbf16, #tpu.memory_space<vmem>>, vector<128x512xbf16>
    %dot_general3A_14 = arith.constant dense<0.000000e+00> : vector<8000x512xf32>
    %dot_general3A_15 = tpu.matmul %convert_element_type3A, %get3A_13, %dot_general3A_14 {dimension_numbers = #tpu.dot_dimension_numbers<[1], [0], [0], [1], [0, 0, 1, 1], [], []>, transpose_lhs_hint = false} : vector<8000x128xbf16>, vector<128x512xbf16>, vector<8000x512xf32> -> vector<8000x512xf32>
    %reshape3A = vector.shape_cast %dot_general3A_15 : vector<8000x512xf32> to vector<1000x8x512xf32>
    %broadcast_in_dim3A = vector.shape_cast %dot_general3A_10 : vector<1000x512xf32> to vector<1000x1x512xf32>
    %add3A = vector.broadcast %broadcast_in_dim3A : vector<1000x1x512xf32> to vector<1000x8x512xf32>
    %add3A_16 = arith.addf %reshape3A, %add3A : vector<1000x8x512xf32>
    %max3A = arith.constant 0.000000e+00 : f32
    %max3A_17 = vector.broadcast %max3A : f32 to vector<1000x8x512xf32>
    %max3A_18 = arith.maximumf %add3A_16, %max3A_17 : vector<1000x8x512xf32>
    %reshape3A_19 = vector.shape_cast %max3A_18 : vector<1000x8x512xf32> to vector<8000x512xf32>
    %convert_element_type3A_20 = arith.truncf %reshape3A_19 : vector<8000x512xf32> to vector<8000x512xbf16>
    %get3A_21 = arith.constant 0 : index
    %get3A_22 = arith.constant 0 : index
    %get3A_23 = vector.load %arg6[%get3A_21, %get3A_22] : memref<512x512xbf16, #tpu.memory_space<vmem>>, vector<512x512xbf16>
    %dot_general3A_24 = arith.constant dense<0.000000e+00> : vector<8000x512xf32>
    %dot_general3A_25 = tpu.matmul %convert_element_type3A_20, %get3A_23, %dot_general3A_24 {dimension_numbers = #tpu.dot_dimension_numbers<[1], [0], [0], [1], [0, 0, 1, 1], [], []>, transpose_lhs_hint = false} : vector<8000x512xbf16>, vector<512x512xbf16>, vector<8000x512xf32> -> vector<8000x512xf32>
    %max3A_26 = arith.constant 0.000000e+00 : f32
    %max3A_27 = vector.broadcast %max3A_26 : f32 to vector<8000x512xf32>
    %max3A_28 = arith.maximumf %dot_general3A_25, %max3A_27 : vector<8000x512xf32>
    %reshape3A_29 = vector.shape_cast %max3A_28 : vector<8000x512xf32> to vector<1000x8x512xf32>
    %reduce_sum3A = arith.constant dense<0.000000e+00> : vector<1000x512xf32>
    %reduce_sum3A_30 = vector.multi_reduction <add>, %reshape3A_29, %reduce_sum3A [1] : vector<1000x8x512xf32> to vector<1000x512xf32>
    %convert_element_type3A_31 = arith.truncf %reduce_sum3A_30 : vector<1000x512xf32> to vector<1000x512xbf16>
    %get3A_32 = arith.constant 0 : index
    %get3A_33 = arith.constant 0 : index
    %get3A_34 = vector.load %arg7[%get3A_32, %get3A_33] : memref<512x128xbf16, #tpu.memory_space<vmem>>, vector<512x128xbf16>
    %dot_general3A_35 = arith.constant dense<0.000000e+00> : vector<1000x128xf32>
    %dot_general3A_36 = tpu.matmul %convert_element_type3A_31, %get3A_34, %dot_general3A_35 {dimension_numbers = #tpu.dot_dimension_numbers<[1], [0], [0], [1], [0, 0, 1, 1], [], []>, transpose_lhs_hint = false} : vector<1000x512xbf16>, vector<512x128xbf16>, vector<1000x128xf32> -> vector<1000x128xf32>
    %convert_element_type3A_37 = arith.truncf %dot_general3A_36 : vector<1000x128xf32> to vector<1000x128xbf16>
    %get3A_38 = arith.constant 0 : index
    %get3A_39 = arith.constant 0 : index
    %get3A_40 = vector.load %arg8[%get3A_38, %get3A_39] : memref<128x512xbf16, #tpu.memory_space<vmem>>, vector<128x512xbf16>
    %dot_general3A_41 = arith.constant dense<0.000000e+00> : vector<1000x512xf32>
    %dot_general3A_42 = tpu.matmul %convert_element_type3A_37, %get3A_40, %dot_general3A_41 {dimension_numbers = #tpu.dot_dimension_numbers<[1], [0], [0], [1], [0, 0, 1, 1], [], []>, transpose_lhs_hint = false} : vector<1000x128xbf16>, vector<128x512xbf16>, vector<1000x512xf32> -> vector<1000x512xf32>
    %get3A_43 = arith.constant 0 : index
    %get3A_44 = arith.constant 0 : index
    %get3A_45 = vector.load %arg9[%get3A_43, %get3A_44] : memref<256x512xbf16, #tpu.memory_space<vmem>>, vector<256x512xbf16>
    %dot_general3A_46 = arith.constant dense<0.000000e+00> : vector<1000x512xf32>
    %dot_general3A_47 = tpu.matmul %get3A_6, %get3A_45, %dot_general3A_46 {dimension_numbers = #tpu.dot_dimension_numbers<[1], [0], [0], [1], [0, 0, 1, 1], [], []>, transpose_lhs_hint = false} : vector<1000x256xbf16>, vector<256x512xbf16>, vector<1000x512xf32> -> vector<1000x512xf32>
    %add3A_48 = arith.addf %dot_general3A_42, %dot_general3A_47 : vector<1000x512xf32>
    %max3A_49 = arith.constant 0.000000e+00 : f32
    %max3A_50 = vector.broadcast %max3A_49 : f32 to vector<1000x512xf32>
    %max3A_51 = arith.maximumf %add3A_48, %max3A_50 : vector<1000x512xf32>
    %convert_element_type3A_52 = arith.truncf %max3A_51 : vector<1000x512xf32> to vector<1000x512xbf16>
    %get3A_53 = arith.constant 0 : index
    %get3A_54 = arith.constant 0 : index
    %get3A_55 = vector.load %arg10[%get3A_53, %get3A_54] : memref<512x512xbf16, #tpu.memory_space<vmem>>, vector<512x512xbf16>
    %dot_general3A_56 = arith.constant dense<0.000000e+00> : vector<1000x512xf32>
    %dot_general3A_57 = tpu.matmul %convert_element_type3A_52, %get3A_55, %dot_general3A_56 {dimension_numbers = #tpu.dot_dimension_numbers<[1], [0], [0], [1], [0, 0, 1, 1], [], []>, transpose_lhs_hint = false} : vector<1000x512xbf16>, vector<512x512xbf16>, vector<1000x512xf32> -> vector<1000x512xf32>
    %max3A_58 = arith.constant 0.000000e+00 : f32
    %max3A_59 = vector.broadcast %max3A_58 : f32 to vector<1000x512xf32>
    %max3A_60 = arith.maximumf %dot_general3A_57, %max3A_59 : vector<1000x512xf32>
    %convert_element_type3A_61 = arith.truncf %max3A_60 : vector<1000x512xf32> to vector<1000x512xbf16>
    %get3A_62 = arith.constant 0 : index
    %get3A_63 = arith.constant 0 : index
    %get3A_64 = vector.load %arg11[%get3A_62, %get3A_63] : memref<512x128xbf16, #tpu.memory_space<vmem>>, vector<512x128xbf16>
    %dot_general3A_65 = arith.constant dense<0.000000e+00> : vector<1000x128xf32>
    %dot_general3A_66 = tpu.matmul %convert_element_type3A_61, %get3A_64, %dot_general3A_65 {dimension_numbers = #tpu.dot_dimension_numbers<[1], [0], [0], [1], [0, 0, 1, 1], [], []>, transpose_lhs_hint = false} : vector<1000x512xbf16>, vector<512x128xbf16>, vector<1000x128xf32> -> vector<1000x128xf32>
    %swap3A = arith.constant 0 : index
    %swap3A_67 = arith.constant 0 : index
    %swap3A_68 = arith.constant 0 : index
    %swap3A_69 = vector.load %arg12[%swap3A, %swap3A_67, %swap3A_68] : memref<1x1000x128xf32, #tpu.memory_space<vmem>>, vector<1x1000x128xf32>
    %swap3A_70 = vector.shape_cast %swap3A_69 : vector<1x1000x128xf32> to vector<1000x128xf32>
    %swap3A_71 = vector.shape_cast %dot_general3A_66 : vector<1000x128xf32> to vector<1x1000x128xf32>
    tpu.vector_store %arg12[%swap3A, %swap3A_67, %swap3A_68], %swap3A_71 {strides = array<i32>} : memref<1x1000x128xf32, #tpu.memory_space<vmem>>, vector<1x1000x128xf32>,
    return
  }
  func.func @transform_0(%arg0: i32, %arg1: i32) -> (i32, i32) {
    %mul3A = arith.constant 5 : i32
    %mul3A_0 = arith.muli %arg0, %mul3A : i32
    %add3A = arith.addi %mul3A_0, %arg1 : i32
    %c0_i32 = arith.constant 0 : i32
    %c0_i32_1 = arith.constant 0 : i32
    return %add3A, %c0_i32 : i32, i32
  }
  func.func @transform_1(%arg0: i32, %arg1: i32) -> (i32, i32, i32) {
    %c0_i32 = arith.constant 0 : i32
    %c0_i32_0 = arith.constant 0 : i32
    return %arg0, %arg1, %c0_i32 : i32, i32, i32
  }
  func.func @transform_2(%arg0: i32, %arg1: i32) -> (i32, i32) {
    %c0_i32 = arith.constant 0 : i32
    %c0_i32_0 = arith.constant 0 : i32
    %c0_i32_1 = arith.constant 0 : i32
    return %c0_i32, %c0_i32_0 : i32, i32
  }
  func.func @transform_3(%arg0: i32, %arg1: i32) -> (i32, i32) {
    %c0_i32 = arith.constant 0 : i32
    %c0_i32_0 = arith.constant 0 : i32
    %c0_i32_1 = arith.constant 0 : i32
    return %c0_i32, %c0_i32_0 : i32, i32
  }
  func.func @transform_4(%arg0: i32, %arg1: i32) -> (i32, i32) {
    %c0_i32 = arith.constant 0 : i32
    %c0_i32_0 = arith.constant 0 : i32
    %c0_i32_1 = arith.constant 0 : i32
    return %c0_i32, %c0_i32_0 : i32, i32
  }
  func.func @transform_5(%arg0: i32, %arg1: i32) -> (i32, i32) {
    %c0_i32 = arith.constant 0 : i32
    %c0_i32_0 = arith.constant 0 : i32
    %c0_i32_1 = arith.constant 0 : i32
    return %c0_i32, %c0_i32_0 : i32, i32
  }
  func.func @transform_6(%arg0: i32, %arg1: i32) -> (i32, i32) {
    %c0_i32 = arith.constant 0 : i32
    %c0_i32_0 = arith.constant 0 : i32
    %c0_i32_1 = arith.constant 0 : i32
    return %c0_i32, %c0_i32_0 : i32, i32
  }
  func.func @transform_7(%arg0: i32, %arg1: i32) -> (i32, i32) {
    %c0_i32 = arith.constant 0 : i32
    %c0_i32_0 = arith.constant 0 : i32
    %c0_i32_1 = arith.constant 0 : i32
    return %c0_i32, %c0_i32_0 : i32, i32
  }
  func.func @transform_8(%arg0: i32, %arg1: i32) -> (i32, i32) {
    %c0_i32 = arith.constant 0 : i32
    %c0_i32_0 = arith.constant 0 : i32
    %c0_i32_1 = arith.constant 0 : i32
    return %c0_i32, %c0_i32_0 : i32, i32
  }
  func.func @transform_9(%arg0: i32, %arg1: i32) -> (i32, i32) {
    %c0_i32 = arith.constant 0 : i32
    %c0_i32_0 = arith.constant 0 : i32
    %c0_i32_1 = arith.constant 0 : i32
    return %c0_i32, %c0_i32_0 : i32, i32
  }
  func.func @transform_10(%arg0: i32, %arg1: i32) -> (i32, i32, i32) {
    %c0_i32 = arith.constant 0 : i32
    %c0_i32_0 = arith.constant 0 : i32
    return %arg0, %arg1, %c0_i32 : i32, i32, i32
  }
}

</mosaic_0001>

<sc_bundles>
// kernel: kernel.6.cloned.1.call-start
scs
__scs_entry_jumppad:
0x0: {  	(pc) =	sbr.rel $0x88, $3  }
0x1: {  	(tag) =	ssettag $0x0;
	lr =	simm.s32 $0x1  }
0x2: {  	[smem:$0x3F8E] =	sst lr;
	_ =	strace $0xD0000000  }
0x3: {  	_ = 	snop  }
0x4: {  	_ = 	snop  }
0x5: {  	_ = 	snop  }
0x6: {  	_ = 	snop  }
0x7: {  	_ = 	snop  }
__scs_overlays_trampoline_lowered:
0x8: {  	[smem:$0x3F9D] =	sst s0  }
0x9: {  	[smem:$0x3F9E] =	sst s1  }
0xa: {  	[smem:$0x3F9F] =	sst s2  }
0xb: {  	[smem:$0x3FA0] =	sst s3  }
0xc: {  	[smem:$0x3FA1] =	sst s4  }
0xd: {  	[smem:$0x3FA2] =	sst s5  }
0xe: {  	[smem:$0x3FA3] =	sst s6  }
0xf: {  	[smem:$0x3FA4] =	sst s7  }
0x10: {  	[smem:$0x3FA5] =	sst s8  }
0x11: {  	[smem:$0x3FA6] =	sst s9;
	s0 =	simm.s32 @!p0 $0x0  }
0x12: {  	s1 =	sld [smem:$0x3F8C];
	s0 =	simm.s32 @p0 $0x1  }
0x13: {  	[smem:$0x3FA7] =	sst s0;
	s0 =	simm.s32 @!p1 $0x0  }
0x14: {  	s2 =	sld [smem:$0x3F8B];
	s0 =	simm.s32 @p1 $0x1  }
0x15: {  	[smem:$0x3FA8] =	sst s0;
	s0 =	simm.s32 @!p2 $0x0  }
0x16: {  	s3 =	sld [smem:$0x3FDB];
	s0 =	simm.s32 @p2 $0x1  }
0x17: {  	s4 =	simm.s32 $0x1BF5;
	[smem:$0x3FAA] =	sst s0  }
0x18: {  	s0 =	sld [smem:$0x3F8D];
	_ =	swait.ge [sflag:s4], $0x0  }
0x19: {  	s7 =	sld [smem:$0x3F8E]  }
0x1a: {  	s8 =	sadd.s32 $0xFFFFE003, lr  }
0x1b: {  	s9 =	sadd.s32 $0xFFFFFEF7, lr;
	s5 =	simm.s32 $0xFFFFFFFF;
	p2 =	slt.u32 s8, $0xFFFFF086  }
0x1c: {  	p1 =	slt.u32 s9, $0xF7A;
	s5 =	simm.s32 @!p2 $0x0  }
0x1d: {  	s5 =	simm.s32 @p1 $0x1;
	p0 =	seq.s32 s7, s2  }
0x1e: {  	s7 =	smul.u32 @!p0 $0xF7A, s2;
	p2 =	seq.s32 @!p0 s5, $0x0  }
0x1f: {  	s9 =	smul.u32 $0xF7A, s1;
	s8 =	simm.s32 @!p0 $0x1BF5;
	p2 =	por !p2, p0  }
0x20: {  	[sflag:s8] =	ssyncset.s32 @!p0 $0xFFFFF086;
	s6 =	sadd.s32 @!p0 s3, s7;
	s7 =	simm.s32 @!p0 $0x108  }
0x21: {  	s3 =	sadd.s32 s3, s9;
	s6 =	sadd.s32 @!p0 $0x88, s6;
	s7 =	simm.s32 @p2 $0x1082  }
0x22: {  	[simem:s7], [sflag:s8] =	dma.local @!p0 [hbm:s6], $0xF7A  }
0x23: {  	s9 =	sor.u32 $0xD0000000, s2;
	s6 =	simm.s32 $0x108;
	_ =	swait.ge @!p0 [sflag:s8], $0x0  }
0x24: {  	s3 =	sadd.s32 $0x88, s3;
	s6 =	simm.s32 @!p1 $0x1082;
	[sflag:s4] =	ssyncset.s32 $0xFFFFF086  }
0x25: {  	[simem:s6], [sflag:s4] =	dma.local [hbm:s3], $0xF7A  }
0x26: {  	[smem:$0x3F8E] =	sst s1;
	(tag) =	ssettag s2;
	_ =	strace s9  }
0x27: {  	s1 =	sld [smem:$0x3F9E]  }
0x28: {  	s2 =	sld [smem:$0x3F9F]  }
0x29: {  	s4 =	sld [smem:$0x3FA1]  }
0x2a: {  	p0 =	seq.s32 s5, $0x0;
	s5 =	sld [smem:$0x3FA2]  }
0x2b: {  	s6 =	sld [smem:$0x3FA3]  }
0x2c: {  	s7 =	sld [smem:$0x3FA4]  }
0x2d: {  	s3 =	simm.s32 $0x108;
	s8 =	sld [smem:$0x3FA5]  }
0x2e: {  	s3 =	simm.s32 @!p0 $0x1082;
	s9 =	sld [smem:$0x3FA6]  }
0x2f: {  	lr =	sadd.s32 s0, s3;
	s0 =	sld [smem:$0x3F9D]  }
0x30: {  	s3 =	sld [smem:$0x3FA0]  }
0x31: {  	[smem:$0x3FA9] =	sst s10  }
0x32: {  	s10 =	sld [smem:$0x3FA7];
	_ =	sdelay $0x3  }
0x33: {  	p0 =	seq.s32 s10, $0x1;
	s10 =	sld [smem:$0x3FA9];
	_ =	sdelay $0x3  }
0x34: {  	[smem:$0x3FA9] =	sst s10  }
0x35: {  	s10 =	sld [smem:$0x3FA8];
	_ =	sdelay $0x3  }
0x36: {  	p1 =	seq.s32 s10, $0x1;
	s10 =	sld [smem:$0x3FA9];
	_ =	sdelay $0x3  }
0x37: {  	[smem:$0x3FA9] =	sst s10  }
0x38: {  	s10 =	sld [smem:$0x3FAA]  }
0x39: {  	_ = 	snop;
	(pc) =	sbr.ind lr, $3  }
0x3a: {  	_ = 	snop  }
0x3b: {  	_ = 	snop  }
0x3c: {  	p2 =	seq.s32 s10, $0x1;
	s10 =	sld [smem:$0x3FA9]  }
0x3d: {  	_ =	shalt  }
0x3e: {  	_ =	shalt  }
0x3f: {  	_ =	shalt  }
0x40: {  	_ =	shalt  }
0x41: {  	_ =	shalt  }
0x42: {  	_ =	shalt  }
0x43: {  	_ =	shalt  }
0x44: {  	_ =	shalt  }
0x45: {  	_ =	shalt  }
0x46: {  	_ =	shalt  }
0x47: {  	_ =	shalt  }
0x48: {  	_ =	shalt  }
0x49: {  	_ =	shalt  }
0x4a: {  	_ =	shalt  }
0x4b: {  	_ =	shalt  }
0x4c: {  	_ =	shalt  }
0x4d: {  	_ =	shalt  }
0x4e: {  	_ =	shalt  }
0x4f: {  	_ =	shalt  }
0x50: {  	_ =	shalt  }
0x51: {  	_ =	shalt  }
0x52: {  	_ =	shalt  }
0x53: {  	_ =	shalt  }
0x54: {  	_ =	shalt  }
0x55: {  	_ =	shalt  }
0x56: {  	_ =	shalt  }
0x57: {  	_ =	shalt  }
0x58: {  	_ =	shalt  }
0x59: {  	_ =	shalt  }
0x5a: {  	_ =	shalt  }
0x5b: {  	_ =	shalt  }
0x5c: {  	_ =	shalt  }
0x5d: {  	_ =	shalt  }
0x5e: {  	_ =	shalt  }
0x5f: {  	_ =	shalt  }
0x60: {  	_ =	shalt  }
0x61: {  	_ =	shalt  }
0x62: {  	_ =	shalt  }
0x63: {  	_ =	shalt  }
0x64: {  	_ =	shalt  }
0x65: {  	_ =	shalt  }
0x66: {  	_ =	shalt  }
0x67: {  	_ =	shalt  }
0x68: {  	_ =	shalt  }
0x69: {  	_ =	shalt  }
0x6a: {  	_ =	shalt  }
0x6b: {  	_ =	shalt  }
0x6c: {  	_ =	shalt  }
0x6d: {  	_ =	shalt  }
0x6e: {  	_ =	shalt  }
0x6f: {  	_ =	shalt  }
0x70: {  	_ =	shalt  }
0x71: {  	_ =	shalt  }
0x72: {  	_ =	shalt  }
0x73: {  	_ =	shalt  }
0x74: {  	_ =	shalt  }
0x75: {  	_ =	shalt  }
0x76: {  	_ =	shalt  }
0x77: {  	_ =	shalt  }
0x78: {  	_ =	shalt  }
0x79: {  	_ =	shalt  }
0x7a: {  	_ =	shalt  }
0x7b: {  	_ =	shalt  }
0x7c: {  	_ =	shalt  }
0x7d: {  	_ =	shalt  }
0x7e: {  	_ =	shalt  }
0x7f: {  	_ =	shalt  }
0x80: {  	_ =	shalt  }
0x81: {  	_ =	shalt  }
0x82: {  	_ =	shalt  }
0x83: {  	_ =	shalt  }
0x84: {  	_ =	shalt  }
0x85: {  	_ =	shalt  }
0x86: {  	_ =	shalt  }
0x87: {  	_ =	shalt  }
.Lfunc_end0:
.L_simem_size_0:
called_computation_lowered:
.L_overlay_start_0:
0x88: {  	s2 =	sld [smem:$0x3FD9]  }
0x89: {  	s3 =	sld [smem:$0x3FFE];
	_ =	sdelay $0x1  }
0x8a: {  	s1 =	srdreg.scid  }
0x8b: {  	s0 =	sand.u32 $0x1, s1  }
0x8c: {  	s17 =	sshll.u32 s0, $0xA;
	s2 =	sadd.s32 s3, s2  }
0x8d: {  	s2 =	sadd.s32 s2, s17  }
0x8e: {  	[smem:$0x3FB5] =	sst s2  }
0x8f: {  	_ = 	snop  }
0x90: {  	s18 =	sld [smem:$0x3FC9];
	(tm) =	ssettm $0x1  }
0x91: {  	s19 =	sld [smem:$0x3FFB];
	_ =	sdelay $0x3  }
0x92: {  	_ =	strace s19  }
0x93: {  	s2 =	sld [smem:$0x3FFC];
	_ =	sdelay $0x3  }
0x94: {  	_ =	strace s2  }
0x95: {  	s2 =	sld [smem:$0x3FFD];
	_ =	sdelay $0x3  }
0x96: {  	_ =	strace s2  }
0x97: {  	_ =	strace $0x8FFFFFFF  }
0x98: {  	s20 =	sld [smem:$0x3FDB];
	_ =	sdelay $0x1  }
0x99: {  	s4 =	simm.s32 $_scs_section_size  }
0x9a: {  	s5 =	simm.s32 $_size__tile_overlayer_lowered;
	s6 =	simm.s32 $_tile_overlayer_lowered  }
0x9b: {  	s7 =	simm.s32 $0x1BFF;
	s21 =	sshll.u32 s6, $0x1;
	s4 =	sadd.s32 s4, s20  }
0x9c: {  	s22 =	simm.s32 $0x0;
	s5 =	sshll.u32 s5, $0x1;
	s6 =	sadd.s32 s21, s4  }
0x9d: {  	[timem:s22], [sflag:s7] =	dma.local [hbm:s6], s5  }
0x9e: {  	_ =	swait.ge [sflag:s7], s5  }
0x9f: {  	s5 =	ssub.s32 $0x0, s5;
	[sflag:s7] =	ssyncset.done $0x0  }
0xa0: {  	[sflag:s7] =	ssyncadd.s32 s5;
	_ =	sdelay $0x1  }
0xa1: {  	s23 =	simm.s32 $0x1B8B  }
0xa2: {  	_ =	swait.ge [sflag:s23], $0x1  }
0xa3: {  	[sflag:s23] =	ssyncset.done $0x0  }
0xa4: {  	[sflag:s23] =	ssyncadd.s32 $0xFFFFFFFF  }
0xa5: {  	s5 =	sld [smem:$0x0]  }
0xa6: {  	s6 =	sand.u32 $0xFFFFFFFE, s1  }
0xa7: {  	p0 =	sne.s32 s1, s6  }
0xa8: {  	s6 =	sshll.u32 @p0 s6, $0xE  }
0xa9: {  	s6 =	sadd.s32 @p0 $0x11B8D, s6;
	s7 =	sshll.u32 @p0 s5, $0x11  }
0xaa: {  	s6 =	sor.u32 @p0 s7, s6  }
0xab: {  	[sflag:s6] =	ssyncadd.remote.s32 @p0 $0x1;
	_ =	sdelay $0x1  }
0xac: {  	s6 =	simm.s32 @p0 $0x1B8D  }
0xad: {  	_ =	swait.eq @p0 [sflag:s6], $0x1  }
0xae: {  	[sflag:s6] =	ssyncadd.s32 @p0 $0xFFFFFFFF  }
0xaf: {  	s7 =	sshll.u32 @!p0 s1, $0xE  }
0xb0: {  	s7 =	sor.u32 @!p0 $0x4000, s7;
	s6 =	simm.s32 @!p0 $0x1B8D  }
0xb1: {  	s5 =	sshll.u32 @!p0 s5, $0x11;
	s7 =	sadd.s32 @!p0 $0x11B8D, s7;
	_ =	swait.eq @!p0 [sflag:s6], $0x1  }
0xb2: {  	s5 =	sor.u32 @!p0 s5, s7;
	[sflag:s6] =	ssyncadd.s32 @!p0 $0xFFFFFFFF  }
0xb3: {  	s25 =	simm.s32 $0x1B8E;
	s24 =	sld [smem:$0x3FFE];
	[sflag:s5] =	ssyncadd.remote.s32 @!p0 $0x1  }
0xb4: {  	s26 =	simm.s32 $execute0_lowered;
	[smem:$0x3FD2] =	sst s25  }
0xb5: {  	s6 =	sshll.u32 s26, $0x1;
	_ =	strace $0x80000049;
	[dreg:$0x1] =	wrdreg $0xFFFFFFFF  }
0xb6: {  	s28 =	simm.s32 $_size_execute0_lowered;
	s4 =	sadd.s32 s4, s6;
	[dreg:$0x0] =	wrdreg $0x0  }
0xb7: {  	s6 =	sshll.u32 s28, $0x1;
	[dreg:$0x2] =	wrdreg s4  }
0xb8: {  	[dreg:$0x3] =	wrdreg s6  }
0xb9: {  	[dreg:$0x4] =	wrdreg $0xC0  }
0xba: {  	_ =	task [dreg:s22], $0x5FFFF  }
0xbb: {  	[dreg:$0x1] =	wrdreg $0xFFFFFFFF  }
0xbc: {  	[dreg:$0x0] =	wrdreg $0x60  }
0xbd: {  	[dreg:$0x2] =	wrdreg s18  }
0xbe: {  	[dreg:$0x3] =	wrdreg s24  }
0xbf: {  	[dreg:$0x4] =	wrdreg $0x9  }
0xc0: {  	_ =	task.clear_ibuf [dreg:s22], $0x5FFFF;
	_ =	strace $0x90000049  }
0xc1: {  	s29 =	simm.s32 $0x9;
	_ =	strace $0x8000004B  }
0xc2: {  	_ =	swait.ge [sflag:s29], $0x1  }
0xc3: {  	[sflag:s29] =	ssyncadd.s32 $0xFFFFFFFF  }
0xc4: {  	_ =	strace $0x9000004B  }
0xc5: {  	_ =	sfence  }
0xc6: {  	s30 =	sld [smem:$0x0];
	_ =	sdelay $0x2  }
0xc7: {  	s31 =	sshll.u32 s1, $0xD;
	s1 =	sshrl.u32 s1, $0x2  }
0xc8: {  	s4 =	sand.u32 $0x4000, s31;
	s1 =	sadd.s32 s1, s30  }
0xc9: {  	s0 =	sor.u32 s4, s0;
	s1 =	sshll.u32 s1, $0x11  }
0xca: {  	s0 =	sor.u32 s1, s0  }
0xcb: {  	s0 =	sadd.s32 $0x8F2B, s0  }
0xcc: {  	[sflag:s0] =	ssyncadd.remote.s32 $0x1  }
0xcd: {  	_ =	sfence.sel $0xFFFF  }
0xce: {  	[dreg:$0x0] =	wrdreg $0xFFFFFFFF;
	(pc) =	sbr.abs _section_cstart, $3  }
0xcf: {  	[dreg:$0x1] =	wrdreg $0xFFFFFFFF  }
0xd0: {  	_ =	task.clear_ibuf [dreg:s22], $0x2FFFF;
	_ =	strace $0x9FFFFFFF  }
0xd1: {  	(tm) =	ssettm $0x7FFFFFFF  }
tec
execute0_lowered:
.L_overlay_start_1:
0x0: {  	(tag) =	ssettag $0x1  }
0x1: {  	s2 =	rddreg [dreg:$0x0]  }
0x2: {  	s4 =	rddreg [dreg:$0x1]  }
0x3: {  	s0 =	rddreg [dreg:$0x2];
	s1 =	stileid.u32  }
0x4: {  	s5 =	srdreg.scid;
	s3 =	simm.s32 $0x0;
	s6 =	smul.u32 $0x2800, s1  }
0x5: {  	s10 =	simm.s32 $0x0;
	s5 =	sand.u32 $0x1, s5;
	s8 =	smul.u32 $0x28000, s1  }
0x6: {  	[smem:$0x7FF] =	sst s3;
	s7 =	smul.u32 $0x1400, s5;
	s9 =	ssub.s32 $0x2, s5  }
0x7: {  	_ =	strace $0x8000004A;
	s5 =	smul.u32 $0x14000, s5;
	s31 =	sshrl.u32 s9, $0x1  }
0x8: {  	s8 =	sadd.s32 s8, s4;
	s6 =	sadd.s32 s7, s6;
	s7 =	ssub.s32 s9, s31  }
0x9: {  	s5 =	sadd.s32 s5, s8;
	s8 =	simm.s32 $0x80;
	s6 =	sshrl.u32 s6, $0x3  }
0xa: {  	s9 =	simm.s32 $0x1;
	s5 =	sadd.s32 $0x28EE00, s5;
	s6 =	sadd.s32 s6, s4  }
0xb: {  	s4 =	smax.u32 s7, $0x1;
	s7 =	simm.s32 $0x2;
	s6 =	sadd.s32 $0x9E00, s6  }
.LBB2_1:
0xc: {  	s11 =	sadd.s32 $0x0, s6  }
0xd: {  	[tilespmem:s3], [sflag:$0x2] =	stream.linear.gather [hbm4b:s11+s3], $0x80, $0x38;
	[tilespmem:$0x4080] =	vst v63  }
0xe: {  	_ =	swait.ge [sflag:s7], $0x80  }
0xf: {  	[sflag:s7] =	ssyncset.done $0x0  }
0x10: {  	[sflag:s7] =	ssyncadd.s32 $0xFFFFFF80  }
0x11: {  	[tilespmem:s8], [sflag:$0x1] =	stream.indirect.gather [hbm4b:s2+s8], $0x80, s3, s8, $0xb8;
	[tilespmem:$0x4080] =	vst v63  }
0x12: {  	_ =	swait.ge [sflag:s9], $0x4000  }
0x13: {  	[sflag:s9] =	ssyncset.done $0x0  }
0x14: {  	[sflag:s9] =	ssyncadd.s32 $0xFFFFC000  }
0x15: {  	[hbm4b:s5+s3] =	stream.linear.scatter [tilespmem:s8], [sflag:$0x2], $0x4000, $0x38;
	[tilespmem:$0x4080] =	vst v63  }
0x16: {  	s12 =	simm.s32 $0x10;
	_ =	swait.ge [sflag:s7], $0x4000  }
0x17: {  	s13 =	simm.s32 $0x20;
	s11 =	sadd.s32 $0x800, s5;
	[sflag:s7] =	ssyncset.done $0x0  }
.LBB2_2:
0x18: {  	s14 =	sadd.s32 s12, s6  }
0x19: {  	[sflag:s7] =	ssyncadd.s32 $0xFFFFC000;
	s12 =	smov.u32 s13;
	s15 =	sadd.s32 $0x10, s13  }
0x1a: {  	[tilespmem:s3], [sflag:$0x2] =	stream.linear.gather [hbm4b:s14+s3], $0x80, $0x38;
	[tilespmem:$0x4080] =	vst v63  }
0x1b: {  	p0 =	sne.s32 s13, $0x270;
	_ =	swait.ge [sflag:s7], $0x80  }
0x1c: {  	[sflag:s7] =	ssyncset.done $0x0  }
0x1d: {  	[sflag:s7] =	ssyncadd.s32 $0xFFFFFF80  }
0x1e: {  	[tilespmem:s8], [sflag:$0x1] =	stream.indirect.gather [hbm4b:s2+s8], $0x80, s3, s8, $0xb8;
	[tilespmem:$0x4080] =	vst v63  }
0x1f: {  	_ =	swait.ge [sflag:s9], $0x4000  }
.Ltmp0:
0x20: {  	[sflag:s9] =	ssyncset.done $0x0;
	(pc) =	sbr.rel @p0 .LBB2_2-.Ltmp0, $4  }
0x21: {  	[sflag:s9] =	ssyncadd.s32 $0xFFFFC000  }
0x22: {  	[hbm4b:s11+s3] =	stream.linear.scatter [tilespmem:s8], [sflag:$0x2], $0x4000, $0x38;
	[tilespmem:$0x4080] =	vst v63  }
0x23: {  	_ =	swait.ge [sflag:s7], $0x4000  }
0x24: {  	s13 =	smov.u32 s15;
	s11 =	sadd.s32 $0x800, s11;
	[sflag:s7] =	ssyncset.done $0x0  }
0x25: {  	s12 =	sadd.s32 s12, s6;
	[sflag:s7] =	ssyncadd.s32 $0xFFFFC000  }
0x26: {  	[tilespmem:s3], [sflag:$0x2] =	stream.linear.gather [hbm4b:s12+s3], $0x80, $0x38;
	[tilespmem:$0x4080] =	vst v63  }
0x27: {  	_ =	swait.ge [sflag:s7], $0x80  }
0x28: {  	[sflag:s7] =	ssyncset.done $0x0  }
0x29: {  	[sflag:s7] =	ssyncadd.s32 $0xFFFFFF80  }
0x2a: {  	[tilespmem:s8], [sflag:$0x1] =	stream.indirect.gather [hbm4b:s2+s8], $0x80, s3, s8, $0xb8;
	[tilespmem:$0x4080] =	vst v63  }
0x2b: {  	s10 =	sadd.s32 $0x1, s10;
	_ =	swait.ge [sflag:s9], $0x4000  }
0x2c: {  	p0 =	sne.s32 s10, s4;
	[sflag:s9] =	ssyncset.done $0x0  }
.Ltmp1:
0x2d: {  	[sflag:s9] =	ssyncadd.s32 $0xFFFFC000;
	(pc) =	sbr.rel @p0 .LBB2_1-.Ltmp1, $4  }
0x2e: {  	[hbm4b:s11+s3] =	stream.linear.scatter [tilespmem:s8], [sflag:$0x2], $0x4000, $0x38;
	[tilespmem:$0x4080] =	vst v63  }
0x2f: {  	_ =	swait.ge [sflag:s7], $0x4000  }
0x30: {  	[sflag:s7] =	ssyncset.done $0x0  }
0x31: {  	[sflag:s7] =	ssyncadd.s32 $0xFFFFC000  }
0x32: {  	_ =	sfence.sel $0x180000  }
0x33: {  	[bflag:$0x0] =	sbarrier.arrive $0xFFFF  }
0x34: {  	p0 =	sne.s32 s1, $0x0;
	_ =	strace $0x9000004A  }
0x35: {  	s0 =	sadd.s32 @!p0 $0x100000, s0;
	[bflag:$0x2] =	sbarrier.arrive $0xFFFF  }
0x36: {  	[sflag:s0] =	ssyncadd.tile.s32 @!p0 $0x1;
	_ =	shalt  }
.Lfunc_end2:
_tile_overlayer_lowered:
.L_overlay_start_2:
0x37: {  	(tag) =	ssettag $0x2  }
0x38: {  	s0 =	rddreg [dreg:$0x0];
	s2 =	stileid.u32  }
0x39: {  	s1 =	rddreg [dreg:$0x1];
	p0 =	sne.s32 s2, $0x0  }
0x3a: {  	s3 =	rddreg [dreg:$0x2];
	[bflag:$0x3] =	sbarrier.arrive $0xFFFF;
	s2 =	simm.s32 @!p0 $0x1C02  }
0x3b: {  	[timem:s3], [sflag:s2] =	dma.local @!p0 [hbm:s0], s1  }
0x3c: {  	s0 =	simm.s32 @!p0 $0x2  }
0x3d: {  	_ =	swait.ge @!p0 [sflag:s0], s1  }
0x3e: {  	s1 =	ssub.s32 @!p0 $0x0, s1;
	[sflag:s0] =	ssyncset.done @!p0 $0x0  }
0x3f: {  	[sflag:s0] =	ssyncadd.s32 @!p0 s1  }
0x40: {  	[bflag:$0x3] =	sbarrier.arrive $0xFFFF  }
0x41: {  	_ =	shalt  }

// kernel: kernel.9.cloned.1.call-start
scs
__scs_entry_jumppad:
0x0: {  	(pc) =	sbr.rel $0x88, $3  }
0x1: {  	(tag) =	ssettag $0x0;
	lr =	simm.s32 $0x1  }
0x2: {  	[smem:$0x3F8E] =	sst lr;
	_ =	strace $0xD0000000  }
0x3: {  	_ = 	snop  }
0x4: {  	_ = 	snop  }
0x5: {  	_ = 	snop  }
0x6: {  	_ = 	snop  }
0x7: {  	_ = 	snop  }
__scs_overlays_trampoline_lowered:
0x8: {  	[smem:$0x3F9D] =	sst s0  }
0x9: {  	[smem:$0x3F9E] =	sst s1  }
0xa: {  	[smem:$0x3F9F] =	sst s2  }
0xb: {  	[smem:$0x3FA0] =	sst s3  }
0xc: {  	[smem:$0x3FA1] =	sst s4  }
0xd: {  	[smem:$0x3FA2] =	sst s5  }
0xe: {  	[smem:$0x3FA3] =	sst s6  }
0xf: {  	[smem:$0x3FA4] =	sst s7  }
0x10: {  	[smem:$0x3FA5] =	sst s8  }
0x11: {  	[smem:$0x3FA6] =	sst s9;
	s0 =	simm.s32 @!p0 $0x0  }
0x12: {  	s1 =	sld [smem:$0x3F8C];
	s0 =	simm.s32 @p0 $0x1  }
0x13: {  	[smem:$0x3FA7] =	sst s0;
	s0 =	simm.s32 @!p1 $0x0  }
0x14: {  	s2 =	sld [smem:$0x3F8B];
	s0 =	simm.s32 @p1 $0x1  }
0x15: {  	[smem:$0x3FA8] =	sst s0;
	s0 =	simm.s32 @!p2 $0x0  }
0x16: {  	s3 =	sld [smem:$0x3FDB];
	s0 =	simm.s32 @p2 $0x1  }
0x17: {  	s4 =	simm.s32 $0x1BF5;
	[smem:$0x3FAA] =	sst s0  }
0x18: {  	s0 =	sld [smem:$0x3F8D];
	_ =	swait.ge [sflag:s4], $0x0  }
0x19: {  	s7 =	sld [smem:$0x3F8E]  }
0x1a: {  	s8 =	sadd.s32 $0xFFFFE003, lr  }
0x1b: {  	s9 =	sadd.s32 $0xFFFFFEF7, lr;
	s5 =	simm.s32 $0xFFFFFFFF;
	p2 =	slt.u32 s8, $0xFFFFF086  }
0x1c: {  	p1 =	slt.u32 s9, $0xF7A;
	s5 =	simm.s32 @!p2 $0x0  }
0x1d: {  	s5 =	simm.s32 @p1 $0x1;
	p0 =	seq.s32 s7, s2  }
0x1e: {  	s7 =	smul.u32 @!p0 $0xF7A, s2;
	p2 =	seq.s32 @!p0 s5, $0x0  }
0x1f: {  	s9 =	smul.u32 $0xF7A, s1;
	s8 =	simm.s32 @!p0 $0x1BF5;
	p2 =	por !p2, p0  }
0x20: {  	[sflag:s8] =	ssyncset.s32 @!p0 $0xFFFFF086;
	s6 =	sadd.s32 @!p0 s3, s7;
	s7 =	simm.s32 @!p0 $0x108  }
0x21: {  	s3 =	sadd.s32 s3, s9;
	s6 =	sadd.s32 @!p0 $0x88, s6;
	s7 =	simm.s32 @p2 $0x1082  }
0x22: {  	[simem:s7], [sflag:s8] =	dma.local @!p0 [hbm:s6], $0xF7A  }
0x23: {  	s9 =	sor.u32 $0xD0000000, s2;
	s6 =	simm.s32 $0x108;
	_ =	swait.ge @!p0 [sflag:s8], $0x0  }
0x24: {  	s3 =	sadd.s32 $0x88, s3;
	s6 =	simm.s32 @!p1 $0x1082;
	[sflag:s4] =	ssyncset.s32 $0xFFFFF086  }
0x25: {  	[simem:s6], [sflag:s4] =	dma.local [hbm:s3], $0xF7A  }
0x26: {  	[smem:$0x3F8E] =	sst s1;
	(tag) =	ssettag s2;
	_ =	strace s9  }
0x27: {  	s1 =	sld [smem:$0x3F9E]  }
0x28: {  	s2 =	sld [smem:$0x3F9F]  }
0x29: {  	s4 =	sld [smem:$0x3FA1]  }
0x2a: {  	p0 =	seq.s32 s5, $0x0;
	s5 =	sld [smem:$0x3FA2]  }
0x2b: {  	s6 =	sld [smem:$0x3FA3]  }
0x2c: {  	s7 =	sld [smem:$0x3FA4]  }
0x2d: {  	s3 =	simm.s32 $0x108;
	s8 =	sld [smem:$0x3FA5]  }
0x2e: {  	s3 =	simm.s32 @!p0 $0x1082;
	s9 =	sld [smem:$0x3FA6]  }
0x2f: {  	lr =	sadd.s32 s0, s3;
	s0 =	sld [smem:$0x3F9D]  }
0x30: {  	s3 =	sld [smem:$0x3FA0]  }
0x31: {  	[smem:$0x3FA9] =	sst s10  }
0x32: {  	s10 =	sld [smem:$0x3FA7];
	_ =	sdelay $0x3  }
0x33: {  	p0 =	seq.s32 s10, $0x1;
	s10 =	sld [smem:$0x3FA9];
	_ =	sdelay $0x3  }
0x34: {  	[smem:$0x3FA9] =	sst s10  }
0x35: {  	s10 =	sld [smem:$0x3FA8];
	_ =	sdelay $0x3  }
0x36: {  	p1 =	seq.s32 s10, $0x1;
	s10 =	sld [smem:$0x3FA9];
	_ =	sdelay $0x3  }
0x37: {  	[smem:$0x3FA9] =	sst s10  }
0x38: {  	s10 =	sld [smem:$0x3FAA]  }
0x39: {  	_ = 	snop;
	(pc) =	sbr.ind lr, $3  }
0x3a: {  	_ = 	snop  }
0x3b: {  	_ = 	snop  }
0x3c: {  	p2 =	seq.s32 s10, $0x1;
	s10 =	sld [smem:$0x3FA9]  }
0x3d: {  	_ =	shalt  }
0x3e: {  	_ =	shalt  }
0x3f: {  	_ =	shalt  }
0x40: {  	_ =	shalt  }
0x41: {  	_ =	shalt  }
0x42: {  	_ =	shalt  }
0x43: {  	_ =	shalt  }
0x44: {  	_ =	shalt  }
0x45: {  	_ =	shalt  }
0x46: {  	_ =	shalt  }
0x47: {  	_ =	shalt  }
0x48: {  	_ =	shalt  }
0x49: {  	_ =	shalt  }
0x4a: {  	_ =	shalt  }
0x4b: {  	_ =	shalt  }
0x4c: {  	_ =	shalt  }
0x4d: {  	_ =	shalt  }
0x4e: {  	_ =	shalt  }
0x4f: {  	_ =	shalt  }
0x50: {  	_ =	shalt  }
0x51: {  	_ =	shalt  }
0x52: {  	_ =	shalt  }
0x53: {  	_ =	shalt  }
0x54: {  	_ =	shalt  }
0x55: {  	_ =	shalt  }
0x56: {  	_ =	shalt  }
0x57: {  	_ =	shalt  }
0x58: {  	_ =	shalt  }
0x59: {  	_ =	shalt  }
0x5a: {  	_ =	shalt  }
0x5b: {  	_ =	shalt  }
0x5c: {  	_ =	shalt  }
0x5d: {  	_ =	shalt  }
0x5e: {  	_ =	shalt  }
0x5f: {  	_ =	shalt  }
0x60: {  	_ =	shalt  }
0x61: {  	_ =	shalt  }
0x62: {  	_ =	shalt  }
0x63: {  	_ =	shalt  }
0x64: {  	_ =	shalt  }
0x65: {  	_ =	shalt  }
0x66: {  	_ =	shalt  }
0x67: {  	_ =	shalt  }
0x68: {  	_ =	shalt  }
0x69: {  	_ =	shalt  }
0x6a: {  	_ =	shalt  }
0x6b: {  	_ =	shalt  }
0x6c: {  	_ =	shalt  }
0x6d: {  	_ =	shalt  }
0x6e: {  	_ =	shalt  }
0x6f: {  	_ =	shalt  }
0x70: {  	_ =	shalt  }
0x71: {  	_ =	shalt  }
0x72: {  	_ =	shalt  }
0x73: {  	_ =	shalt  }
0x74: {  	_ =	shalt  }
0x75: {  	_ =	shalt  }
0x76: {  	_ =	shalt  }
0x77: {  	_ =	shalt  }
0x78: {  	_ =	shalt  }
0x79: {  	_ =	shalt  }
0x7a: {  	_ =	shalt  }
0x7b: {  	_ =	shalt  }
0x7c: {  	_ =	shalt  }
0x7d: {  	_ =	shalt  }
0x7e: {  	_ =	shalt  }
0x7f: {  	_ =	shalt  }
0x80: {  	_ =	shalt  }
0x81: {  	_ =	shalt  }
0x82: {  	_ =	shalt  }
0x83: {  	_ =	shalt  }
0x84: {  	_ =	shalt  }
0x85: {  	_ =	shalt  }
0x86: {  	_ =	shalt  }
0x87: {  	_ =	shalt  }
.Lfunc_end0:
.L_simem_size_0:
called_computation.1_lowered:
.L_overlay_start_0:
0x88: {  	s2 =	sld [smem:$0x3FD9]  }
0x89: {  	s3 =	sld [smem:$0x3FFE];
	_ =	sdelay $0x1  }
0x8a: {  	s1 =	srdreg.scid  }
0x8b: {  	s0 =	sand.u32 $0x1, s1  }
0x8c: {  	s17 =	sshll.u32 s0, $0xA;
	s2 =	sadd.s32 s3, s2  }
0x8d: {  	s2 =	sadd.s32 s2, s17  }
0x8e: {  	[smem:$0x3FB5] =	sst s2  }
0x8f: {  	_ = 	snop  }
0x90: {  	s2 =	sld [smem:$0x3FC9];
	(tm) =	ssettm $0x1  }
0x91: {  	s18 =	sld [smem:$0x3FFB];
	_ =	sdelay $0x3  }
0x92: {  	_ =	strace s18  }
0x93: {  	s3 =	sld [smem:$0x3FFC];
	_ =	sdelay $0x3  }
0x94: {  	_ =	strace s3  }
0x95: {  	s3 =	sld [smem:$0x3FFD];
	_ =	sdelay $0x3  }
0x96: {  	_ =	strace s3  }
0x97: {  	_ =	strace $0x8FFFFFFF  }
0x98: {  	s19 =	sld [smem:$0x3FDB];
	_ =	sdelay $0x1  }
0x99: {  	s4 =	simm.s32 $_scs_section_size  }
0x9a: {  	s5 =	simm.s32 $_size__tile_overlayer_lowered;
	s6 =	simm.s32 $_tile_overlayer_lowered  }
0x9b: {  	s22 =	simm.s32 $0x1BFF;
	s21 =	sshll.u32 s6, $0x1;
	s3 =	sadd.s32 s4, s19  }
0x9c: {  	s7 =	simm.s32 $0x0;
	s20 =	sshll.u32 s5, $0x1;
	s5 =	sadd.s32 s21, s3  }
0x9d: {  	[timem:s7], [sflag:s22] =	dma.local [hbm:s5], s20  }
0x9e: {  	_ =	swait.ge [sflag:s22], s20  }
0x9f: {  	s4 =	ssub.s32 $0x0, s20;
	[sflag:s22] =	ssyncset.done $0x0  }
0xa0: {  	[sflag:s22] =	ssyncadd.s32 s4;
	_ =	sdelay $0x1  }
0xa1: {  	s23 =	simm.s32 $0x1B8B  }
0xa2: {  	_ =	swait.ge [sflag:s23], $0x1  }
0xa3: {  	[sflag:s23] =	ssyncset.done $0x0  }
0xa4: {  	s25 =	simm.s32 $0x1B8E;
	s24 =	sld [smem:$0x3FFE];
	[sflag:s23] =	ssyncadd.s32 $0xFFFFFFFF  }
0xa5: {  	s26 =	simm.s32 $execute0_lowered;
	[smem:$0x3FD2] =	sst s25  }
0xa6: {  	s5 =	sshll.u32 s26, $0x1;
	_ =	strace $0x80000046;
	[dreg:$0x1] =	wrdreg $0xFFFFFFFF  }
0xa7: {  	s28 =	simm.s32 $_size_execute0_lowered;
	s3 =	sadd.s32 s3, s5;
	[dreg:$0x0] =	wrdreg $0x0  }
0xa8: {  	s5 =	sshll.u32 s28, $0x1;
	[dreg:$0x2] =	wrdreg s3  }
0xa9: {  	[dreg:$0x3] =	wrdreg s5  }
0xaa: {  	[dreg:$0x4] =	wrdreg $0xC0  }
0xab: {  	_ =	task [dreg:s7], $0x5FFFF  }
0xac: {  	[dreg:$0x1] =	wrdreg $0xFFFFFFFF  }
0xad: {  	[dreg:$0x0] =	wrdreg $0x60  }
0xae: {  	[dreg:$0x2] =	wrdreg s2  }
0xaf: {  	[dreg:$0x3] =	wrdreg s24  }
0xb0: {  	[dreg:$0x4] =	wrdreg $0xA  }
0xb1: {  	_ =	task.clear_ibuf [dreg:s7], $0x5FFFF;
	_ =	strace $0x90000046  }
0xb2: {  	s29 =	simm.s32 $0xA;
	_ =	strace $0x80000048  }
0xb3: {  	_ =	swait.ge [sflag:s29], $0x1  }
0xb4: {  	[sflag:s29] =	ssyncadd.s32 $0xFFFFFFFF  }
0xb5: {  	_ =	strace $0x90000048  }
0xb6: {  	_ =	sfence  }
0xb7: {  	s30 =	sld [smem:$0x0];
	_ =	sdelay $0x2  }
0xb8: {  	s31 =	sshll.u32 s1, $0xD;
	s1 =	sshrl.u32 s1, $0x2  }
0xb9: {  	s3 =	sand.u32 $0x4000, s31;
	s1 =	sadd.s32 s1, s30  }
0xba: {  	s0 =	sor.u32 s3, s0;
	s1 =	sshll.u32 s1, $0x11  }
0xbb: {  	s0 =	sor.u32 s1, s0  }
0xbc: {  	s0 =	sadd.s32 $0x8F2B, s0  }
0xbd: {  	[sflag:s0] =	ssyncadd.remote.s32 $0x1  }
0xbe: {  	_ =	sfence.sel $0xFFFF  }
0xbf: {  	[dreg:$0x0] =	wrdreg $0xFFFFFFFF;
	(pc) =	sbr.abs _section_cstart, $3  }
0xc0: {  	[dreg:$0x1] =	wrdreg $0xFFFFFFFF  }
0xc1: {  	_ =	task.clear_ibuf [dreg:s7], $0x2FFFF;
	_ =	strace $0x9FFFFFFF  }
0xc2: {  	(tm) =	ssettm $0x7FFFFFFF  }
0xc3: {  	_ =	shalt  }
tec
execute0_lowered:
.L_overlay_start_1:
0x0: {  	(tag) =	ssettag $0x1  }
0x1: {  	s2 =	rddreg [dreg:$0x0]  }
0x2: {  	s4 =	rddreg [dreg:$0x1]  }
0x3: {  	s0 =	rddreg [dreg:$0x2];
	s1 =	stileid.u32  }
0x4: {  	s5 =	srdreg.scid;
	s3 =	simm.s32 $0x0;
	s6 =	smul.u32 $0x2800, s1  }
0x5: {  	s10 =	simm.s32 $0x0;
	s5 =	sand.u32 $0x1, s5;
	s8 =	smul.u32 $0x28000, s1  }
0x6: {  	[smem:$0x7FF] =	sst s3;
	s7 =	smul.u32 $0x1400, s5;
	s9 =	ssub.s32 $0x2, s5  }
0x7: {  	_ =	strace $0x80000047;
	s5 =	smul.u32 $0x14000, s5;
	s31 =	sshrl.u32 s9, $0x1  }
0x8: {  	s8 =	sadd.s32 s8, s4;
	s6 =	sadd.s32 s7, s6;
	s7 =	ssub.s32 s9, s31  }
0x9: {  	s5 =	sadd.s32 s5, s8;
	s8 =	simm.s32 $0x80;
	s6 =	sshrl.u32 s6, $0x3  }
0xa: {  	s9 =	simm.s32 $0x1;
	s5 =	sadd.s32 $0xEE00, s5;
	s6 =	sadd.s32 s6, s4  }
0xb: {  	s4 =	smax.u32 s7, $0x1;
	s7 =	simm.s32 $0x2;
	s6 =	sadd.s32 $0x4E00, s6  }
.LBB2_1:
0xc: {  	s11 =	sadd.s32 $0x0, s6  }
0xd: {  	[tilespmem:s3], [sflag:$0x2] =	stream.linear.gather [hbm4b:s11+s3], $0x80, $0x38;
	[tilespmem:$0x4080] =	vst v63  }
0xe: {  	_ =	swait.ge [sflag:s7], $0x80  }
0xf: {  	[sflag:s7] =	ssyncset.done $0x0  }
0x10: {  	[sflag:s7] =	ssyncadd.s32 $0xFFFFFF80  }
0x11: {  	[tilespmem:s8], [sflag:$0x1] =	stream.indirect.gather [hbm4b:s2+s8], $0x80, s3, s8, $0xb8;
	[tilespmem:$0x4080] =	vst v63  }
0x12: {  	_ =	swait.ge [sflag:s9], $0x4000  }
0x13: {  	[sflag:s9] =	ssyncset.done $0x0  }
0x14: {  	[sflag:s9] =	ssyncadd.s32 $0xFFFFC000  }
0x15: {  	[hbm4b:s5+s3] =	stream.linear.scatter [tilespmem:s8], [sflag:$0x2], $0x4000, $0x38;
	[tilespmem:$0x4080] =	vst v63  }
0x16: {  	s12 =	simm.s32 $0x10;
	_ =	swait.ge [sflag:s7], $0x4000  }
0x17: {  	s13 =	simm.s32 $0x20;
	s11 =	sadd.s32 $0x800, s5;
	[sflag:s7] =	ssyncset.done $0x0  }
.LBB2_2:
0x18: {  	s14 =	sadd.s32 s12, s6  }
0x19: {  	[sflag:s7] =	ssyncadd.s32 $0xFFFFC000;
	s12 =	smov.u32 s13;
	s15 =	sadd.s32 $0x10, s13  }
0x1a: {  	[tilespmem:s3], [sflag:$0x2] =	stream.linear.gather [hbm4b:s14+s3], $0x80, $0x38;
	[tilespmem:$0x4080] =	vst v63  }
0x1b: {  	p0 =	sne.s32 s13, $0x270;
	_ =	swait.ge [sflag:s7], $0x80  }
0x1c: {  	[sflag:s7] =	ssyncset.done $0x0  }
0x1d: {  	[sflag:s7] =	ssyncadd.s32 $0xFFFFFF80  }
0x1e: {  	[tilespmem:s8], [sflag:$0x1] =	stream.indirect.gather [hbm4b:s2+s8], $0x80, s3, s8, $0xb8;
	[tilespmem:$0x4080] =	vst v63  }
0x1f: {  	_ =	swait.ge [sflag:s9], $0x4000  }
.Ltmp0:
0x20: {  	[sflag:s9] =	ssyncset.done $0x0;
	(pc) =	sbr.rel @p0 .LBB2_2-.Ltmp0, $4  }
0x21: {  	[sflag:s9] =	ssyncadd.s32 $0xFFFFC000  }
0x22: {  	[hbm4b:s11+s3] =	stream.linear.scatter [tilespmem:s8], [sflag:$0x2], $0x4000, $0x38;
	[tilespmem:$0x4080] =	vst v63  }
0x23: {  	_ =	swait.ge [sflag:s7], $0x4000  }
0x24: {  	s13 =	smov.u32 s15;
	s11 =	sadd.s32 $0x800, s11;
	[sflag:s7] =	ssyncset.done $0x0  }
0x25: {  	s12 =	sadd.s32 s12, s6;
	[sflag:s7] =	ssyncadd.s32 $0xFFFFC000  }
0x26: {  	[tilespmem:s3], [sflag:$0x2] =	stream.linear.gather [hbm4b:s12+s3], $0x80, $0x38;
	[tilespmem:$0x4080] =	vst v63  }
0x27: {  	_ =	swait.ge [sflag:s7], $0x80  }
0x28: {  	[sflag:s7] =	ssyncset.done $0x0  }
0x29: {  	[sflag:s7] =	ssyncadd.s32 $0xFFFFFF80  }
0x2a: {  	[tilespmem:s8], [sflag:$0x1] =	stream.indirect.gather [hbm4b:s2+s8], $0x80, s3, s8, $0xb8;
	[tilespmem:$0x4080] =	vst v63  }
0x2b: {  	s10 =	sadd.s32 $0x1, s10;
	_ =	swait.ge [sflag:s9], $0x4000  }
0x2c: {  	p0 =	sne.s32 s10, s4;
	[sflag:s9] =	ssyncset.done $0x0  }
.Ltmp1:
0x2d: {  	[sflag:s9] =	ssyncadd.s32 $0xFFFFC000;
	(pc) =	sbr.rel @p0 .LBB2_1-.Ltmp1, $4  }
0x2e: {  	[hbm4b:s11+s3] =	stream.linear.scatter [tilespmem:s8], [sflag:$0x2], $0x4000, $0x38;
	[tilespmem:$0x4080] =	vst v63  }
0x2f: {  	_ =	swait.ge [sflag:s7], $0x4000  }
0x30: {  	[sflag:s7] =	ssyncset.done $0x0  }
0x31: {  	[sflag:s7] =	ssyncadd.s32 $0xFFFFC000  }
0x32: {  	_ =	sfence.sel $0x180000  }
0x33: {  	[bflag:$0x0] =	sbarrier.arrive $0xFFFF  }
0x34: {  	p0 =	sne.s32 s1, $0x0;
	_ =	strace $0x90000047  }
0x35: {  	s0 =	sadd.s32 @!p0 $0x100000, s0;
	[bflag:$0x2] =	sbarrier.arrive $0xFFFF  }
0x36: {  	[sflag:s0] =	ssyncadd.tile.s32 @!p0 $0x1;
	_ =	shalt  }
.Lfunc_end2:
_tile_overlayer_lowered:
.L_overlay_start_2:
0x37: {  	(tag) =	ssettag $0x2  }
0x38: {  	s0 =	rddreg [dreg:$0x0];
	s2 =	stileid.u32  }
0x39: {  	s1 =	rddreg [dreg:$0x1];
	p0 =	sne.s32 s2, $0x0  }
0x3a: {  	s3 =	rddreg [dreg:$0x2];
	[bflag:$0x3] =	sbarrier.arrive $0xFFFF;
	s2 =	simm.s32 @!p0 $0x1C02  }
0x3b: {  	[timem:s3], [sflag:s2] =	dma.local @!p0 [hbm:s0], s1  }
0x3c: {  	s0 =	simm.s32 @!p0 $0x2  }
0x3d: {  	_ =	swait.ge @!p0 [sflag:s0], s1  }
0x3e: {  	s1 =	ssub.s32 @!p0 $0x0, s1;
	[sflag:s0] =	ssyncset.done @!p0 $0x0  }
0x3f: {  	[sflag:s0] =	ssyncadd.s32 @!p0 s1  }
0x40: {  	[bflag:$0x3] =	sbarrier.arrive $0xFFFF  }
0x41: {  	_ =	shalt  }

</sc_bundles>
